<compile_context>
chip_gen: v7x
topology: tpu7x:2x2x1
jax: 0.10.2.dev20260603
libtpu: 0.0.44.dev20260713+nightly
codegen_flags: <defaults>
</compile_context>

<pallas_src>
import functools

import jax
import jax.numpy as jnp
from jax import lax
from jax.experimental import pallas as pl
from jax.experimental.pallas import tpu as pltpu
from jax.experimental.pallas import tpu_sc as plsc

N = 10000
E = 320000
D = 128
DH = D // 2

NC = 2
NS = 16

CHUNK = 256
C_PER_TILE = -(-E // (NS * CHUNK))
E_W = C_PER_TILE * CHUNK
E_PAD = E_W * NS

ROWS_PER_TILE = 632
ACC_ROWS = ROWS_PER_TILE * NS
PAD_DST = N

BR = 1000


def _sc_body(xh_hbm, src_hbm, dst_hbm, zz_hbm, p_hbm, xsp, acc, src_v, dst_v,
             rows_v, sem):
    cid = lax.axis_index("c")
    sid = lax.axis_index("s")

    r0 = sid * ROWS_PER_TILE
    pltpu.sync_copy(xh_hbm.at[cid, pl.ds(r0, ROWS_PER_TILE)],
                    xsp.at[pl.ds(r0, ROWS_PER_TILE)])
    pltpu.sync_copy(zz_hbm.at[pl.ds(r0, ROWS_PER_TILE)],
                    acc.at[pl.ds(r0, ROWS_PER_TILE)])
    plsc.subcore_barrier()

    base = sid * E_W

    def step(i, carry):
        off = base + i * CHUNK
        pltpu.sync_copy(src_hbm.at[pl.ds(off, CHUNK)], src_v)
        pltpu.sync_copy(dst_hbm.at[pl.ds(off, CHUNK)], dst_v)
        pltpu.async_copy(xsp.at[src_v], rows_v, sem).wait()
        pltpu.sync_copy(rows_v, acc.at[dst_v], add=True)
        return carry

    lax.fori_loop(0, C_PER_TILE, step, 0)
    plsc.subcore_barrier()

    pltpu.sync_copy(acc.at[pl.ds(r0, ROWS_PER_TILE)],
                    p_hbm.at[cid, pl.ds(r0, ROWS_PER_TILE)])


_sc_scatter = functools.partial(
    pl.kernel,
    out_type=jax.ShapeDtypeStruct((NC, ACC_ROWS, DH), jnp.float32),
    mesh=plsc.VectorSubcoreMesh(core_axis_name="c", subcore_axis_name="s"),
    scratch_types=[
        pltpu.VMEM_SHARED((ACC_ROWS, DH), jnp.float32),
        pltpu.VMEM_SHARED((ACC_ROWS, DH), jnp.float32),
        pltpu.VMEM((CHUNK,), jnp.int32),
        pltpu.VMEM((CHUNK,), jnp.int32),
        pltpu.VMEM((CHUNK, DH), jnp.float32),
        pltpu.SemaphoreType.DMA,
    ],
)(_sc_body)


def _mm_body(p_ref, w_ref, b_ref, o_ref):
    s = jnp.concatenate([p_ref[0], p_ref[1]], axis=1)
    o_ref[...] = (jnp.dot(s, w_ref[...], preferred_element_type=jnp.float32)
                  + b_ref[...])


_mm = pl.pallas_call(
    _mm_body,
    grid=(N // BR,),
    in_specs=[
        pl.BlockSpec((NC, BR, DH), lambda i: (0, i, 0)),
        pl.BlockSpec((D, D), lambda i: (0, 0)),
        pl.BlockSpec((1, D), lambda i: (0, 0)),
    ],
    out_specs=pl.BlockSpec((BR, D), lambda i: (i, 0)),
    out_shape=jax.ShapeDtypeStruct((N, D), jnp.float32),
)


def kernel(edge_index, x, W, b):
    src = edge_index[0].astype(jnp.int32)
    dst = edge_index[1].astype(jnp.int32)
    npad = E_PAD - E
    src = jnp.concatenate([src, jnp.zeros((npad,), jnp.int32)])
    dst = jnp.concatenate([dst, jnp.full((npad,), PAD_DST, jnp.int32)])
    xh = jnp.stack([x[:, :DH], x[:, DH:]])
    xh = jnp.pad(xh, ((0, 0), (0, ACC_ROWS - N), (0, 0)))
    zz = jnp.zeros((ACC_ROWS, DH), jnp.float32)
    p = _sc_scatter(xh, src, dst, zz)
    return _mm(p, W, b.reshape(1, D))

# --- scband reference (transcript-rebuilt; emitter-appended) ---
"""Pipeline reference for scband-graph-convolution-43851616092257 (READ-ONLY COPY).

The authoritative reference and input builder live on the scoring server;
editing this copy changes nothing except your own understanding.
"""

import jax, jax.numpy as jnp
import numpy as np
import math

N_NODES = 10000
N_EDGES = 320000
D_IN = 128
D_OUT = 128

def setup_inputs(seed: int = 0) -> dict:
    key = jax.random.key(seed)
    k1, k2, k3 = jax.random.split(key, 3)
    x = jax.random.normal(k1, (N_NODES, D_IN), dtype=jnp.float32)
    edge_index = jax.random.randint(k2, (2, N_EDGES), 0, N_NODES, dtype=jnp.int64)
    # kaiming uniform init for weight [D_IN, D_OUT]
    bound = math.sqrt(6.0 / D_IN)
    W = jax.random.uniform(k3, (D_IN, D_OUT), dtype=jnp.float32, minval=-bound, maxval=bound)
    b = jnp.zeros((D_OUT,), dtype=jnp.float32)
    return {"edge_index": edge_index, "x": x, "W": W, "b": b}

def reference(edge_index, x, W, b):
    # support = input_feature @ weight
    support = x @ W
    # output = sparse.mm(adjacency, support); adjacency has value 1.0 at (dst, src)
    # equivalent: out[dst] += support[src] for each edge (src, dst)
    src = edge_index[0]
    dst = edge_index[1]
    gathered = jnp.take(support, src, axis=0)
    out = jax.ops.segment_sum(gathered, dst, num_segments=N_NODES)
    out = out + b
    return out

if __name__ == "__main__":
    import jax
    _d = setup_inputs()
    print(jax.jit(kernel)(*tuple(_d.values())))

</pallas_src>

<mosaic_0001>
#map = affine_map<(d0, d1) -> (0, 0, 0)>
#map1 = affine_map<(d0, d1) -> (0)>
#map2 = affine_map<(d0, d1) -> (0, 0)>
module attributes {stable_mosaic.version = 14 : i64} {
  func.func @_sc_body(%arg0: i32, %arg1: i32, %arg2: memref<2x10112x64xf32, #tpu.memory_space<hbm>>, %arg3: memref<323584xi32, #tpu.memory_space<hbm>>, %arg4: memref<323584xi32, #tpu.memory_space<hbm>>, %arg5: memref<10112x64xf32, #tpu.memory_space<hbm>>, %arg6: memref<2x10112x64xf32, #tpu.memory_space<hbm>>, %arg7: memref<10112x64xf32, #tpu.memory_space<vmem_shared>>, %arg8: memref<10112x64xf32, #tpu.memory_space<vmem_shared>>, %arg9: memref<256xi32, #tpu.memory_space<vmem>>, %arg10: memref<256xi32, #tpu.memory_space<vmem>>, %arg11: memref<256x64xf32, #tpu.memory_space<vmem>>, %arg12: memref<!tpu.dma_semaphore, #tpu.memory_space<semaphore_mem>>) attributes {dimension_semantics = [#tpu.dimension_semantics<core_parallel>, #tpu.dimension_semantics<subcore_parallel>], iteration_bounds = array<i64: 2, 16>, scalar_prefetch = 0 : i64, scratch_operands = 6 : i64, tpu.core_type = #tpu.core_type<sc_vector_subcore>, window_params = [{transform_indices = #map}, {transform_indices = #map1}, {transform_indices = #map1}, {transform_indices = #map2}, {transform_indices = #map}]} {
    %mul3A = arith.constant 632 : i32
    %mul3A_0 = arith.muli %arg1, %mul3A : i32
    "tpu.region"() ({
      %run_scoped3A = tpu.sem_alloc : memref<!tpu.dma_semaphore, #tpu.memory_space<semaphore_mem>>
      %dma_start3A = arith.constant 0 : i32
      %dma_start3A_9 = tpu.memref_slice %arg7[%mul3A_0, %dma_start3A] : memref<10112x64xf32, #tpu.memory_space<vmem_shared>> -> memref<632x64xf32, #tpu.memory_space<vmem_shared>>
      %dma_start3A_10 = arith.constant 0 : i32
      %dma_start3A_11 = tpu.memref_slice %arg2[%arg0, %mul3A_0, %dma_start3A_10] : memref<2x10112x64xf32, #tpu.memory_space<hbm>> -> memref<1x632x64xf32, #tpu.memory_space<hbm>>
      %dma_start3A_12 = tpu.memref_squeeze %dma_start3A_11 : memref<1x632x64xf32, #tpu.memory_space<hbm>> -> memref<632x64xf32, #tpu.memory_space<hbm>>
      tpu.enqueue_dma source(%dma_start3A_12 : memref<632x64xf32, #tpu.memory_space<hbm>>) target(%dma_start3A_9 : memref<632x64xf32, #tpu.memory_space<vmem_shared>>) target_semaphore(%run_scoped3A : memref<!tpu.dma_semaphore, #tpu.memory_space<semaphore_mem>>)
      %dma_wait3A = arith.constant 0 : i32
      %dma_wait3A_13 = tpu.memref_slice %arg7[%mul3A_0, %dma_wait3A] : memref<10112x64xf32, #tpu.memory_space<vmem_shared>> -> memref<632x64xf32, #tpu.memory_space<vmem_shared>>
      %dma_wait3A_14 = arith.constant 0 : i32
      %dma_wait3A_15 = tpu.memref_slice %arg2[%arg0, %mul3A_0, %dma_wait3A_14] : memref<2x10112x64xf32, #tpu.memory_space<hbm>> -> memref<1x632x64xf32, #tpu.memory_space<hbm>>
      %dma_wait3A_16 = tpu.memref_squeeze %dma_wait3A_15 : memref<1x632x64xf32, #tpu.memory_space<hbm>> -> memref<632x64xf32, #tpu.memory_space<hbm>>
      tpu.wait_dma2 semaphore(%run_scoped3A : memref<!tpu.dma_semaphore, #tpu.memory_space<semaphore_mem>>) src(%dma_wait3A_16 : memref<632x64xf32, #tpu.memory_space<hbm>>) dst(%dma_wait3A_13 : memref<632x64xf32, #tpu.memory_space<vmem_shared>>)
      tpu.yield
    }) : () -> ()
    "tpu.region"() ({
      %run_scoped3A = tpu.sem_alloc : memref<!tpu.dma_semaphore, #tpu.memory_space<semaphore_mem>>
      %dma_start3A = arith.constant 0 : i32
      %dma_start3A_9 = tpu.memref_slice %arg8[%mul3A_0, %dma_start3A] : memref<10112x64xf32, #tpu.memory_space<vmem_shared>> -> memref<632x64xf32, #tpu.memory_space<vmem_shared>>
      %dma_start3A_10 = arith.constant 0 : i32
      %dma_start3A_11 = tpu.memref_slice %arg5[%mul3A_0, %dma_start3A_10] : memref<10112x64xf32, #tpu.memory_space<hbm>> -> memref<632x64xf32, #tpu.memory_space<hbm>>
      tpu.enqueue_dma source(%dma_start3A_11 : memref<632x64xf32, #tpu.memory_space<hbm>>) target(%dma_start3A_9 : memref<632x64xf32, #tpu.memory_space<vmem_shared>>) target_semaphore(%run_scoped3A : memref<!tpu.dma_semaphore, #tpu.memory_space<semaphore_mem>>)
      %dma_wait3A = arith.constant 0 : i32
      %dma_wait3A_12 = tpu.memref_slice %arg8[%mul3A_0, %dma_wait3A] : memref<10112x64xf32, #tpu.memory_space<vmem_shared>> -> memref<632x64xf32, #tpu.memory_space<vmem_shared>>
      %dma_wait3A_13 = arith.constant 0 : i32
      %dma_wait3A_14 = tpu.memref_slice %arg5[%mul3A_0, %dma_wait3A_13] : memref<10112x64xf32, #tpu.memory_space<hbm>> -> memref<632x64xf32, #tpu.memory_space<hbm>>
      tpu.wait_dma2 semaphore(%run_scoped3A : memref<!tpu.dma_semaphore, #tpu.memory_space<semaphore_mem>>) src(%dma_wait3A_14 : memref<632x64xf32, #tpu.memory_space<hbm>>) dst(%dma_wait3A_12 : memref<632x64xf32, #tpu.memory_space<vmem_shared>>)
      tpu.yield
    }) : () -> ()
    %barrier3A = arith.constant 0 : index
    tpu.barrier barrier_id(%barrier3A)
    %mul3A_1 = arith.constant 20224 : i32
    %mul3A_2 = arith.muli %arg1, %mul3A_1 : i32
    %scan3A = arith.constant 0 : i32
    %scan3A_3 = arith.constant 0 : i32
    %scan3A_4 = arith.constant 79 : i32
    %scan3A_5 = arith.addi %scan3A_3, %scan3A_4 : i32
    %scan3A_6 = arith.constant 1 : i32
    scf.for %scan3A_9 = %scan3A_3 to %scan3A_5 step %scan3A_6  : i32 {
      %mul3A_10 = arith.constant 256 : i32
      %mul3A_11 = arith.muli %scan3A_9, %mul3A_10 : i32
      %add3A = arith.addi %mul3A_2, %mul3A_11 : i32
      "tpu.region"() ({
        %run_scoped3A = tpu.sem_alloc : memref<!tpu.dma_semaphore, #tpu.memory_space<semaphore_mem>>
        %dma_start3A_16 = tpu.memref_slice %arg3[%add3A] : memref<323584xi32, #tpu.memory_space<hbm>> -> memref<256xi32, #tpu.memory_space<hbm>>
        %dma_start3A_17 = tpu.memref_slice %arg3[%add3A] : memref<323584xi32, #tpu.memory_space<hbm>> -> memref<256xi32, #tpu.memory_space<hbm>>
        tpu.enqueue_dma source(%dma_start3A_17 : memref<256xi32, #tpu.memory_space<hbm>>) target(%arg9 : memref<256xi32, #tpu.memory_space<vmem>>) target_semaphore(%run_scoped3A : memref<!tpu.dma_semaphore, #tpu.memory_space<semaphore_mem>>)
        %dma_wait3A_18 = tpu.memref_slice %arg3[%add3A] : memref<323584xi32, #tpu.memory_space<hbm>> -> memref<256xi32, #tpu.memory_space<hbm>>
        %dma_wait3A_19 = tpu.memref_slice %arg3[%add3A] : memref<323584xi32, #tpu.memory_space<hbm>> -> memref<256xi32, #tpu.memory_space<hbm>>
        tpu.wait_dma2 semaphore(%run_scoped3A : memref<!tpu.dma_semaphore, #tpu.memory_space<semaphore_mem>>) src(%dma_wait3A_19 : memref<256xi32, #tpu.memory_space<hbm>>) dst(%arg9 : memref<256xi32, #tpu.memory_space<vmem>>)
        tpu.yield
      }) : () -> ()
      "tpu.region"() ({
        %run_scoped3A = tpu.sem_alloc : memref<!tpu.dma_semaphore, #tpu.memory_space<semaphore_mem>>
        %dma_start3A_16 = tpu.memref_slice %arg4[%add3A] : memref<323584xi32, #tpu.memory_space<hbm>> -> memref<256xi32, #tpu.memory_space<hbm>>
        %dma_start3A_17 = tpu.memref_slice %arg4[%add3A] : memref<323584xi32, #tpu.memory_space<hbm>> -> memref<256xi32, #tpu.memory_space<hbm>>
        tpu.enqueue_dma source(%dma_start3A_17 : memref<256xi32, #tpu.memory_space<hbm>>) target(%arg10 : memref<256xi32, #tpu.memory_space<vmem>>) target_semaphore(%run_scoped3A : memref<!tpu.dma_semaphore, #tpu.memory_space<semaphore_mem>>)
        %dma_wait3A_18 = tpu.memref_slice %arg4[%add3A] : memref<323584xi32, #tpu.memory_space<hbm>> -> memref<256xi32, #tpu.memory_space<hbm>>
        %dma_wait3A_19 = tpu.memref_slice %arg4[%add3A] : memref<323584xi32, #tpu.memory_space<hbm>> -> memref<256xi32, #tpu.memory_space<hbm>>
        tpu.wait_dma2 semaphore(%run_scoped3A : memref<!tpu.dma_semaphore, #tpu.memory_space<semaphore_mem>>) src(%dma_wait3A_19 : memref<256xi32, #tpu.memory_space<hbm>>) dst(%arg10 : memref<256xi32, #tpu.memory_space<vmem>>)
        tpu.yield
      }) : () -> ()
      %dma_start3A = arith.constant 0 : i32
      %dma_start3A_12 = arith.constant 0 : i32
      %dma_start3A_13 = tpu.memref_slice %arg7[%dma_start3A, %dma_start3A_12] : memref<10112x64xf32, #tpu.memory_space<vmem_shared>> -> memref<10112x64xf32, #tpu.memory_space<vmem_shared>>
      tpu.enqueue_indirect_dma source(%dma_start3A_13 : memref<10112x64xf32, #tpu.memory_space<vmem_shared>>) target(%arg11 : memref<256x64xf32, #tpu.memory_space<vmem>>) offsets(%arg9 : memref<256xi32, #tpu.memory_space<vmem>>) semaphore(%arg12 : memref<!tpu.dma_semaphore, #tpu.memory_space<semaphore_mem>>)
      %dma_wait3A = arith.constant 0 : i32
      %dma_wait3A_14 = arith.constant 0 : i32
      %dma_wait3A_15 = tpu.memref_slice %arg7[%dma_wait3A, %dma_wait3A_14] : memref<10112x64xf32, #tpu.memory_space<vmem_shared>> -> memref<10112x64xf32, #tpu.memory_space<vmem_shared>>
      tpu.wait_indirect_dma semaphore(%arg12 : memref<!tpu.dma_semaphore, #tpu.memory_space<semaphore_mem>>) src(%dma_wait3A_15 : memref<10112x64xf32, #tpu.memory_space<vmem_shared>>) dst(%arg11 : memref<256x64xf32, #tpu.memory_space<vmem>>)
      "tpu.region"() ({
        %run_scoped3A = tpu.sem_alloc : memref<!tpu.dma_semaphore, #tpu.memory_space<semaphore_mem>>
        %dma_start3A_16 = arith.constant 0 : i32
        %dma_start3A_17 = arith.constant 0 : i32
        %dma_start3A_18 = tpu.memref_slice %arg8[%dma_start3A_16, %dma_start3A_17] : memref<10112x64xf32, #tpu.memory_space<vmem_shared>> -> memref<10112x64xf32, #tpu.memory_space<vmem_shared>>
        tpu.enqueue_indirect_dma source(%arg11 : memref<256x64xf32, #tpu.memory_space<vmem>>) target(%dma_start3A_18 : memref<10112x64xf32, #tpu.memory_space<vmem_shared>>) offsets(%arg10 : memref<256xi32, #tpu.memory_space<vmem>>) semaphore(%run_scoped3A : memref<!tpu.dma_semaphore, #tpu.memory_space<semaphore_mem>>) {add = true}
        %dma_wait3A_19 = arith.constant 0 : i32
        %dma_wait3A_20 = arith.constant 0 : i32
        %dma_wait3A_21 = tpu.memref_slice %arg8[%dma_wait3A_19, %dma_wait3A_20] : memref<10112x64xf32, #tpu.memory_space<vmem_shared>> -> memref<10112x64xf32, #tpu.memory_space<vmem_shared>>
        tpu.wait_indirect_dma semaphore(%run_scoped3A : memref<!tpu.dma_semaphore, #tpu.memory_space<semaphore_mem>>) src(%arg11 : memref<256x64xf32, #tpu.memory_space<vmem>>) dst(%dma_wait3A_21 : memref<10112x64xf32, #tpu.memory_space<vmem_shared>>)
        tpu.yield
      }) : () -> ()
    }
    %scan3A_7 = arith.constant 79 : i32
    %barrier3A_8 = arith.constant 0 : index
    tpu.barrier barrier_id(%barrier3A_8)
    "tpu.region"() ({
      %run_scoped3A = tpu.sem_alloc : memref<!tpu.dma_semaphore, #tpu.memory_space<semaphore_mem>>
      %dma_start3A = arith.constant 0 : i32
      %dma_start3A_9 = tpu.memref_slice %arg6[%arg0, %mul3A_0, %dma_start3A] : memref<2x10112x64xf32, #tpu.memory_space<hbm>> -> memref<1x632x64xf32, #tpu.memory_space<hbm>>
      %dma_start3A_10 = tpu.memref_squeeze %dma_start3A_9 : memref<1x632x64xf32, #tpu.memory_space<hbm>> -> memref<632x64xf32, #tpu.memory_space<hbm>>
      %dma_start3A_11 = arith.constant 0 : i32
      %dma_start3A_12 = tpu.memref_slice %arg8[%mul3A_0, %dma_start3A_11] : memref<10112x64xf32, #tpu.memory_space<vmem_shared>> -> memref<632x64xf32, #tpu.memory_space<vmem_shared>>
      tpu.enqueue_dma source(%dma_start3A_12 : memref<632x64xf32, #tpu.memory_space<vmem_shared>>) target(%dma_start3A_10 : memref<632x64xf32, #tpu.memory_space<hbm>>) target_semaphore(%run_scoped3A : memref<!tpu.dma_semaphore, #tpu.memory_space<semaphore_mem>>)
      %dma_wait3A = arith.constant 0 : i32
      %dma_wait3A_13 = tpu.memref_slice %arg6[%arg0, %mul3A_0, %dma_wait3A] : memref<2x10112x64xf32, #tpu.memory_space<hbm>> -> memref<1x632x64xf32, #tpu.memory_space<hbm>>
      %dma_wait3A_14 = tpu.memref_squeeze %dma_wait3A_13 : memref<1x632x64xf32, #tpu.memory_space<hbm>> -> memref<632x64xf32, #tpu.memory_space<hbm>>
      %dma_wait3A_15 = arith.constant 0 : i32
      %dma_wait3A_16 = tpu.memref_slice %arg8[%mul3A_0, %dma_wait3A_15] : memref<10112x64xf32, #tpu.memory_space<vmem_shared>> -> memref<632x64xf32, #tpu.memory_space<vmem_shared>>
      tpu.wait_dma2 semaphore(%run_scoped3A : memref<!tpu.dma_semaphore, #tpu.memory_space<semaphore_mem>>) src(%dma_wait3A_16 : memref<632x64xf32, #tpu.memory_space<vmem_shared>>) dst(%dma_wait3A_14 : memref<632x64xf32, #tpu.memory_space<hbm>>)
      tpu.yield
    }) : () -> ()
    return
  }
}

module attributes {stable_mosaic.version = 14 : i64} {
  func.func @_mm_body(%arg0: i32, %arg1: memref<2x1000x64xf32, #tpu.memory_space<vmem>>, %arg2: memref<128x128xf32, #tpu.memory_space<vmem>>, %arg3: memref<1x128xf32, #tpu.memory_space<vmem>>, %arg4: memref<1000x128xf32, #tpu.memory_space<vmem>>) attributes {dimension_semantics = [#tpu.dimension_semantics<arbitrary>], iteration_bounds = array<i64: 10>, scalar_prefetch = 0 : i64, scratch_operands = 0 : i64, tpu.core_type = #tpu.core_type<tc>, window_params = [{transform_indices = @transform_0, window_bounds = array<i64: 2, 1000, 64>}, {pipeline_mode = #tpu.pipeline_mode<synchronous>, transform_indices = @transform_1, window_bounds = array<i64: 128, 128>}, {pipeline_mode = #tpu.pipeline_mode<synchronous>, transform_indices = @transform_2, window_bounds = array<i64: 1, 128>}, {transform_indices = @transform_3, window_bounds = array<i64: 1000, 128>}]} {
    %get3A = arith.constant 0 : index
    %get3A_0 = arith.constant 0 : index
    %get3A_1 = arith.constant 0 : index
    %get3A_2 = vector.load %arg1[%get3A, %get3A_0, %get3A_1] : memref<2x1000x64xf32, #tpu.memory_space<vmem>>, vector<1x1000x64xf32>
    %get3A_3 = vector.shape_cast %get3A_2 : vector<1x1000x64xf32> to vector<1000x64xf32>
    %get3A_4 = arith.constant 1 : index
    %get3A_5 = arith.constant 0 : index
    %get3A_6 = arith.constant 0 : index
    %get3A_7 = vector.load %arg1[%get3A_4, %get3A_5, %get3A_6] : memref<2x1000x64xf32, #tpu.memory_space<vmem>>, vector<1x1000x64xf32>
    %get3A_8 = vector.shape_cast %get3A_7 : vector<1x1000x64xf32> to vector<1000x64xf32>
    %concatenate3A = tpu.concatenate %get3A_3, %get3A_8 in 1 : vector<1000x64xf32>, vector<1000x64xf32> -> vector<1000x128xf32>
    %get3A_9 = arith.constant 0 : index
    %get3A_10 = arith.constant 0 : index
    %get3A_11 = vector.load %arg2[%get3A_9, %get3A_10] : memref<128x128xf32, #tpu.memory_space<vmem>>, vector<128x128xf32>
    %dot_general3A = arith.constant dense<0.000000e+00> : vector<1000x128xf32>
    %dot_general3A_12 = tpu.matmul %concatenate3A, %get3A_11, %dot_general3A {dimension_numbers = #tpu.dot_dimension_numbers<[1], [0], [0], [1], [0, 0, 1, 1], [], []>, transpose_lhs_hint = false} : vector<1000x128xf32>, vector<128x128xf32>, vector<1000x128xf32> -> vector<1000x128xf32>
    %get3A_13 = arith.constant 0 : index
    %get3A_14 = arith.constant 0 : index
    %get3A_15 = vector.load %arg3[%get3A_13, %get3A_14] : memref<1x128xf32, #tpu.memory_space<vmem>>, vector<1x128xf32>
    %add3A = vector.broadcast %get3A_15 : vector<1x128xf32> to vector<1000x128xf32>
    %add3A_16 = arith.addf %dot_general3A_12, %add3A : vector<1000x128xf32>
    %swap3A = arith.constant 0 : index
    %swap3A_17 = arith.constant 0 : index
    %swap3A_18 = vector.load %arg4[%swap3A, %swap3A_17] : memref<1000x128xf32, #tpu.memory_space<vmem>>, vector<1000x128xf32>
    tpu.vector_store %arg4[%swap3A, %swap3A_17], %add3A_16 {strides = array<i32>} : memref<1000x128xf32, #tpu.memory_space<vmem>>, vector<1000x128xf32>,
    return
  }
  func.func @transform_0(%arg0: i32) -> (i32, i32, i32) {
    %c0_i32 = arith.constant 0 : i32
    %c0_i32_0 = arith.constant 0 : i32
    %c0_i32_1 = arith.constant 0 : i32
    return %c0_i32, %arg0, %c0_i32_0 : i32, i32, i32
  }
  func.func @transform_1(%arg0: i32) -> (i32, i32) {
    %c0_i32 = arith.constant 0 : i32
    %c0_i32_0 = arith.constant 0 : i32
    %c0_i32_1 = arith.constant 0 : i32
    return %c0_i32, %c0_i32_0 : i32, i32
  }
  func.func @transform_2(%arg0: i32) -> (i32, i32) {
    %c0_i32 = arith.constant 0 : i32
    %c0_i32_0 = arith.constant 0 : i32
    %c0_i32_1 = arith.constant 0 : i32
    return %c0_i32, %c0_i32_0 : i32, i32
  }
  func.func @transform_3(%arg0: i32) -> (i32, i32) {
    %c0_i32 = arith.constant 0 : i32
    %c0_i32_0 = arith.constant 0 : i32
    return %arg0, %c0_i32 : i32, i32
  }
}

</mosaic_0001>

<sc_bundles>
// kernel: kernel.4.cloned.1.call-start
scs
__scs_entry_jumppad:
0x0: {  	(pc) =	sbr.rel $0x88, $3  }
0x1: {  	(tag) =	ssettag $0x0;
	lr =	simm.s32 $0x1  }
0x2: {  	[smem:$0x3F9D] =	sst lr;
	_ =	strace $0xD0000000  }
0x3: {  	_ = 	snop  }
0x4: {  	_ = 	snop  }
0x5: {  	_ = 	snop  }
0x6: {  	_ = 	snop  }
0x7: {  	_ = 	snop  }
__scs_overlays_trampoline_lowered:
0x8: {  	[smem:$0x3FAC] =	sst s0  }
0x9: {  	[smem:$0x3FAD] =	sst s1  }
0xa: {  	[smem:$0x3FAE] =	sst s2  }
0xb: {  	[smem:$0x3FAF] =	sst s3  }
0xc: {  	[smem:$0x3FB0] =	sst s4  }
0xd: {  	[smem:$0x3FB1] =	sst s5  }
0xe: {  	[smem:$0x3FB2] =	sst s6  }
0xf: {  	[smem:$0x3FB3] =	sst s7  }
0x10: {  	[smem:$0x3FB4] =	sst s8  }
0x11: {  	[smem:$0x3FB5] =	sst s9;
	s0 =	simm.s32 @!p0 $0x0  }
0x12: {  	s1 =	sld [smem:$0x3F9B];
	s0 =	simm.s32 @p0 $0x1  }
0x13: {  	[smem:$0x3FB6] =	sst s0;
	s0 =	simm.s32 @!p1 $0x0  }
0x14: {  	s2 =	sld [smem:$0x3F9A];
	s0 =	simm.s32 @p1 $0x1  }
0x15: {  	[smem:$0x3FB7] =	sst s0;
	s0 =	simm.s32 @!p2 $0x0  }
0x16: {  	s3 =	sld [smem:$0x3FDB];
	s0 =	simm.s32 @p2 $0x1  }
0x17: {  	s4 =	simm.s32 $0x1BF5;
	[smem:$0x3FB9] =	sst s0  }
0x18: {  	s0 =	sld [smem:$0x3F9C];
	_ =	swait.ge [sflag:s4], $0x0  }
0x19: {  	s7 =	sld [smem:$0x3F9D]  }
0x1a: {  	s8 =	sadd.s32 $0xFFFFE003, lr  }
0x1b: {  	s9 =	sadd.s32 $0xFFFFFEF7, lr;
	s5 =	simm.s32 $0xFFFFFFFF;
	p2 =	slt.u32 s8, $0xFFFFF086  }
0x1c: {  	p1 =	slt.u32 s9, $0xF7A;
	s5 =	simm.s32 @!p2 $0x0  }
0x1d: {  	s5 =	simm.s32 @p1 $0x1;
	p0 =	seq.s32 s7, s2  }
0x1e: {  	s7 =	smul.u32 @!p0 $0xF7A, s2;
	p2 =	seq.s32 @!p0 s5, $0x0  }
0x1f: {  	s9 =	smul.u32 $0xF7A, s1;
	s8 =	simm.s32 @!p0 $0x1BF5;
	p2 =	por !p2, p0  }
0x20: {  	[sflag:s8] =	ssyncset.s32 @!p0 $0xFFFFF086;
	s6 =	sadd.s32 @!p0 s3, s7;
	s7 =	simm.s32 @!p0 $0x108  }
0x21: {  	s3 =	sadd.s32 s3, s9;
	s6 =	sadd.s32 @!p0 $0x88, s6;
	s7 =	simm.s32 @p2 $0x1082  }
0x22: {  	[simem:s7], [sflag:s8] =	dma.local @!p0 [hbm:s6], $0xF7A  }
0x23: {  	s9 =	sor.u32 $0xD0000000, s2;
	s6 =	simm.s32 $0x108;
	_ =	swait.ge @!p0 [sflag:s8], $0x0  }
0x24: {  	s3 =	sadd.s32 $0x88, s3;
	s6 =	simm.s32 @!p1 $0x1082;
	[sflag:s4] =	ssyncset.s32 $0xFFFFF086  }
0x25: {  	[simem:s6], [sflag:s4] =	dma.local [hbm:s3], $0xF7A  }
0x26: {  	[smem:$0x3F9D] =	sst s1;
	(tag) =	ssettag s2;
	_ =	strace s9  }
0x27: {  	s1 =	sld [smem:$0x3FAD]  }
0x28: {  	s2 =	sld [smem:$0x3FAE]  }
0x29: {  	s4 =	sld [smem:$0x3FB0]  }
0x2a: {  	p0 =	seq.s32 s5, $0x0;
	s5 =	sld [smem:$0x3FB1]  }
0x2b: {  	s6 =	sld [smem:$0x3FB2]  }
0x2c: {  	s7 =	sld [smem:$0x3FB3]  }
0x2d: {  	s3 =	simm.s32 $0x108;
	s8 =	sld [smem:$0x3FB4]  }
0x2e: {  	s3 =	simm.s32 @!p0 $0x1082;
	s9 =	sld [smem:$0x3FB5]  }
0x2f: {  	lr =	sadd.s32 s0, s3;
	s0 =	sld [smem:$0x3FAC]  }
0x30: {  	s3 =	sld [smem:$0x3FAF]  }
0x31: {  	[smem:$0x3FB8] =	sst s10  }
0x32: {  	s10 =	sld [smem:$0x3FB6];
	_ =	sdelay $0x3  }
0x33: {  	p0 =	seq.s32 s10, $0x1;
	s10 =	sld [smem:$0x3FB8];
	_ =	sdelay $0x3  }
0x34: {  	[smem:$0x3FB8] =	sst s10  }
0x35: {  	s10 =	sld [smem:$0x3FB7];
	_ =	sdelay $0x3  }
0x36: {  	p1 =	seq.s32 s10, $0x1;
	s10 =	sld [smem:$0x3FB8];
	_ =	sdelay $0x3  }
0x37: {  	[smem:$0x3FB8] =	sst s10  }
0x38: {  	s10 =	sld [smem:$0x3FB9]  }
0x39: {  	_ = 	snop;
	(pc) =	sbr.ind lr, $3  }
0x3a: {  	_ = 	snop  }
0x3b: {  	_ = 	snop  }
0x3c: {  	p2 =	seq.s32 s10, $0x1;
	s10 =	sld [smem:$0x3FB8]  }
0x3d: {  	_ =	shalt  }
0x3e: {  	_ =	shalt  }
0x3f: {  	_ =	shalt  }
0x40: {  	_ =	shalt  }
0x41: {  	_ =	shalt  }
0x42: {  	_ =	shalt  }
0x43: {  	_ =	shalt  }
0x44: {  	_ =	shalt  }
0x45: {  	_ =	shalt  }
0x46: {  	_ =	shalt  }
0x47: {  	_ =	shalt  }
0x48: {  	_ =	shalt  }
0x49: {  	_ =	shalt  }
0x4a: {  	_ =	shalt  }
0x4b: {  	_ =	shalt  }
0x4c: {  	_ =	shalt  }
0x4d: {  	_ =	shalt  }
0x4e: {  	_ =	shalt  }
0x4f: {  	_ =	shalt  }
0x50: {  	_ =	shalt  }
0x51: {  	_ =	shalt  }
0x52: {  	_ =	shalt  }
0x53: {  	_ =	shalt  }
0x54: {  	_ =	shalt  }
0x55: {  	_ =	shalt  }
0x56: {  	_ =	shalt  }
0x57: {  	_ =	shalt  }
0x58: {  	_ =	shalt  }
0x59: {  	_ =	shalt  }
0x5a: {  	_ =	shalt  }
0x5b: {  	_ =	shalt  }
0x5c: {  	_ =	shalt  }
0x5d: {  	_ =	shalt  }
0x5e: {  	_ =	shalt  }
0x5f: {  	_ =	shalt  }
0x60: {  	_ =	shalt  }
0x61: {  	_ =	shalt  }
0x62: {  	_ =	shalt  }
0x63: {  	_ =	shalt  }
0x64: {  	_ =	shalt  }
0x65: {  	_ =	shalt  }
0x66: {  	_ =	shalt  }
0x67: {  	_ =	shalt  }
0x68: {  	_ =	shalt  }
0x69: {  	_ =	shalt  }
0x6a: {  	_ =	shalt  }
0x6b: {  	_ =	shalt  }
0x6c: {  	_ =	shalt  }
0x6d: {  	_ =	shalt  }
0x6e: {  	_ =	shalt  }
0x6f: {  	_ =	shalt  }
0x70: {  	_ =	shalt  }
0x71: {  	_ =	shalt  }
0x72: {  	_ =	shalt  }
0x73: {  	_ =	shalt  }
0x74: {  	_ =	shalt  }
0x75: {  	_ =	shalt  }
0x76: {  	_ =	shalt  }
0x77: {  	_ =	shalt  }
0x78: {  	_ =	shalt  }
0x79: {  	_ =	shalt  }
0x7a: {  	_ =	shalt  }
0x7b: {  	_ =	shalt  }
0x7c: {  	_ =	shalt  }
0x7d: {  	_ =	shalt  }
0x7e: {  	_ =	shalt  }
0x7f: {  	_ =	shalt  }
0x80: {  	_ =	shalt  }
0x81: {  	_ =	shalt  }
0x82: {  	_ =	shalt  }
0x83: {  	_ =	shalt  }
0x84: {  	_ =	shalt  }
0x85: {  	_ =	shalt  }
0x86: {  	_ =	shalt  }
0x87: {  	_ =	shalt  }
.Lfunc_end0:
.L_simem_size_0:
called_computation_lowered:
.L_overlay_start_0:
0x88: {  	s2 =	sld [smem:$0x3FD9]  }
0x89: {  	s3 =	sld [smem:$0x3FFE];
	_ =	sdelay $0x1  }
0x8a: {  	s1 =	srdreg.scid  }
0x8b: {  	s0 =	sand.u32 $0x1, s1  }
0x8c: {  	s17 =	sshll.u32 s0, $0xA;
	s2 =	sadd.s32 s3, s2  }
0x8d: {  	s2 =	sadd.s32 s2, s17  }
0x8e: {  	[smem:$0x3FC4] =	sst s2  }
0x8f: {  	_ = 	snop  }
0x90: {  	s2 =	sld [smem:$0x3FD0];
	(tm) =	ssettm $0x1  }
0x91: {  	s18 =	sld [smem:$0x3FFB];
	_ =	sdelay $0x3  }
0x92: {  	_ =	strace s18  }
0x93: {  	s3 =	sld [smem:$0x3FFC];
	_ =	sdelay $0x3  }
0x94: {  	_ =	strace s3  }
0x95: {  	s3 =	sld [smem:$0x3FFD];
	_ =	sdelay $0x3  }
0x96: {  	_ =	strace s3  }
0x97: {  	_ =	strace $0x8FFFFFFF  }
0x98: {  	s19 =	sld [smem:$0x3FDB];
	_ =	sdelay $0x1  }
0x99: {  	s4 =	simm.s32 $_scs_section_size  }
0x9a: {  	s5 =	simm.s32 $_size__tile_overlayer_lowered;
	s6 =	simm.s32 $_tile_overlayer_lowered  }
0x9b: {  	s22 =	simm.s32 $0x1BFF;
	s21 =	sshll.u32 s6, $0x1;
	s3 =	sadd.s32 s4, s19  }
0x9c: {  	s7 =	simm.s32 $0x0;
	s20 =	sshll.u32 s5, $0x1;
	s5 =	sadd.s32 s21, s3  }
0x9d: {  	[timem:s7], [sflag:s22] =	dma.local [hbm:s5], s20  }
0x9e: {  	_ =	swait.ge [sflag:s22], s20  }
0x9f: {  	s4 =	ssub.s32 $0x0, s20;
	[sflag:s22] =	ssyncset.done $0x0  }
0xa0: {  	[sflag:s22] =	ssyncadd.s32 s4;
	_ =	sdelay $0x1  }
0xa1: {  	s23 =	simm.s32 $0x1B8B  }
0xa2: {  	_ =	swait.ge [sflag:s23], $0x1  }
0xa3: {  	[sflag:s23] =	ssyncset.done $0x0  }
0xa4: {  	s25 =	simm.s32 $0x1B8E;
	s24 =	sld [smem:$0x3FFE];
	[sflag:s23] =	ssyncadd.s32 $0xFFFFFFFF  }
0xa5: {  	s26 =	simm.s32 $execute0_lowered;
	[smem:$0x3FD2] =	sst s25  }
0xa6: {  	s5 =	sshll.u32 s26, $0x1;
	_ =	strace $0x80000046;
	[dreg:$0x1] =	wrdreg $0xFFFFFFFF  }
0xa7: {  	s28 =	simm.s32 $_size_execute0_lowered;
	s3 =	sadd.s32 s3, s5;
	[dreg:$0x0] =	wrdreg $0x0  }
0xa8: {  	s5 =	sshll.u32 s28, $0x1;
	[dreg:$0x2] =	wrdreg s3  }
0xa9: {  	[dreg:$0x3] =	wrdreg s5  }
0xaa: {  	[dreg:$0x4] =	wrdreg $0xC0  }
0xab: {  	_ =	task [dreg:s7], $0x5FFFF  }
0xac: {  	[dreg:$0x1] =	wrdreg $0xFFFFFFFF  }
0xad: {  	[dreg:$0x0] =	wrdreg $0x60  }
0xae: {  	[dreg:$0x2] =	wrdreg s24  }
0xaf: {  	[dreg:$0x3] =	wrdreg s2  }
0xb0: {  	[dreg:$0x4] =	wrdreg $0x0  }
0xb1: {  	[dreg:$0x5] =	wrdreg $0x9E000  }
0xb2: {  	[dreg:$0x6] =	wrdreg $0x9  }
0xb3: {  	_ =	task.clear_ibuf [dreg:s7], $0x7FFFF;
	_ =	strace $0x90000046  }
0xb4: {  	s29 =	simm.s32 $0x9;
	_ =	strace $0x80000048  }
0xb5: {  	_ =	swait.ge [sflag:s29], $0x1  }
0xb6: {  	[sflag:s29] =	ssyncadd.s32 $0xFFFFFFFF  }
0xb7: {  	_ =	strace $0x90000048  }
0xb8: {  	_ =	sfence  }
0xb9: {  	s30 =	sld [smem:$0x0];
	_ =	sdelay $0x2  }
0xba: {  	s31 =	sshll.u32 s1, $0xD;
	s1 =	sshrl.u32 s1, $0x2  }
0xbb: {  	s3 =	sand.u32 $0x4000, s31;
	s1 =	sadd.s32 s1, s30  }
0xbc: {  	s0 =	sor.u32 s3, s0;
	s1 =	sshll.u32 s1, $0x11  }
0xbd: {  	s0 =	sor.u32 s1, s0  }
0xbe: {  	s0 =	sadd.s32 $0x8F2B, s0  }
0xbf: {  	[sflag:s0] =	ssyncadd.remote.s32 $0x1  }
0xc0: {  	_ =	sfence.sel $0xFFFF  }
0xc1: {  	[dreg:$0x0] =	wrdreg $0xFFFFFFFF;
	(pc) =	sbr.abs _section_cstart, $3  }
0xc2: {  	[dreg:$0x1] =	wrdreg $0xFFFFFFFF  }
0xc3: {  	_ =	task.clear_ibuf [dreg:s7], $0x2FFFF;
	_ =	strace $0x9FFFFFFF  }
0xc4: {  	(tm) =	ssettm $0x7FFFFFFF  }
0xc5: {  	_ =	shalt  }
tec
execute0_lowered:
.L_overlay_start_1:
0x0: {  	(tag) =	ssettag $0x1  }
0x1: {  	s5 =	rddreg [dreg:$0x0]  }
0x2: {  	s11 =	rddreg [dreg:$0x1]  }
0x3: {  	s2 =	rddreg [dreg:$0x2]  }
0x4: {  	s3 =	rddreg [dreg:$0x3]  }
0x5: {  	s0 =	rddreg [dreg:$0x4];
	s1 =	stileid.u32  }
0x6: {  	s6 =	srdreg.scid;
	s4 =	simm.s32 $0x0;
	s16 =	simm.s32 $0x13D00  }
0x7: {  	s17 =	simm.s32 $0x100;
	s18 =	simm.s32 $0x13E00;
	s12 =	smul.u32 $0x9E0, s1  }
0x8: {  	s19 =	simm.s32 $0x1;
	s20 =	simm.s32 $0x0;
	s7 =	smul.u32 $0x13C00, s1  }
0x9: {  	s6 =	sand.u32 $0x1, s6;
	[smem:$0x7FF] =	sst s4;
	s31 =	sshll.u32 s1, $0x6  }
0xa: {  	s8 =	smul.u32 $0x13C000, s6;
	_ =	strace $0x80000047;
	s6 =	ssub.s32 $0x2, s6  }
0xb: {  	s10 =	sadd.s32 s12, s5;
	s9 =	sshrl.u32 s7, $0x3;
	s13 =	sshrl.u32 s6, $0x1  }
0xc: {  	s14 =	sadd.s32 s7, s2;
	s15 =	sadd.s32 s7, s3;
	s11 =	sadd.s32 s12, s11  }
0xd: {  	s8 =	sadd.s32 s7, s8;
	s9 =	sadd.s32 s9, s5;
	s13 =	ssub.s32 s6, s13  }
0xe: {  	s6 =	sor.u32 $0x1C02, s31;
	s10 =	sadd.s32 $0x600, s10;
	s12 =	sshrl.u32 s14, $0x3  }
0xf: {  	s14 =	sshrl.u32 s15, $0x3;
	s15 =	simm.s32 $0x13C00;
	s8 =	sshrl.u32 s8, $0x3  }
0x10: {  	s7 =	sadd.s32 $0x59400, s9;
	s9 =	smax.u32 s13, $0x1;
	s8 =	sadd.s32 s8, s5  }
0x11: {  	s13 =	simm.s32 $0x2;
	s5 =	sadd.s32 $0xA400, s8;
	s8 =	sadd.s32 $0x80C00, s8  }
.LBB2_1:
0x12: {  	[spmem:s12], [sflag:s6] =	dma.local [hbm:s5], $0x2780  }
0x13: {  	_ =	swait.ge [sflag:s13], $0x2780  }
0x14: {  	[sflag:s13] =	ssyncset.done $0x0  }
0x15: {  	[sflag:s13] =	ssyncadd.s32 $0xFFFFD880  }
0x16: {  	[spmem:s14], [sflag:s6] =	dma.local [hbm:s7], $0x2780  }
0x17: {  	_ =	swait.ge [sflag:s13], $0x2780  }
0x18: {  	[sflag:s13] =	ssyncset.done $0x0  }
0x19: {  	[sflag:s13] =	ssyncadd.s32 $0xFFFFD880  }
0x1a: {  	s21 =	sadd.s32 $0x0, s11;
	[bflag:$0x0] =	sbarrier.arrive $0xFFFF  }
0x1b: {  	[tilespmem:s15], [sflag:$0x2] =	stream.linear.gather [hbm4b:s21+s4], $0x100, $0x38;
	[tilespmem:$0x1BE00] =	vst v63  }
0x1c: {  	_ =	swait.ge [sflag:s13], $0x100  }
0x1d: {  	[sflag:s13] =	ssyncset.done $0x0  }
0x1e: {  	s31 =	sadd.s32 $0x0, s10;
	[sflag:s13] =	ssyncadd.s32 $0xFFFFFF00  }
0x1f: {  	[tilespmem:s16], [sflag:$0x2] =	stream.linear.gather [hbm4b:s31+s4], $0x100, $0x38;
	[tilespmem:$0x1BE00] =	vst v63  }
0x20: {  	_ =	swait.ge [sflag:s13], $0x100  }
0x21: {  	[sflag:s13] =	ssyncset.done $0x0  }
0x22: {  	[sflag:s13] =	ssyncadd.s32 $0xFFFFFF00  }
0x23: {  	[tilespmem:s18], [sflag:$0x1] =	stream.indirect.gather [spmem:s2], $0x40, s15, s17, $0xb8;
	[tilespmem:$0x1BE00] =	vst v63  }
0x24: {  	_ =	swait.ge [sflag:s19], $0x4000  }
0x25: {  	[sflag:s19] =	ssyncset.done $0x0  }
0x26: {  	[sflag:s19] =	ssyncadd.s32 $0xFFFFC000  }
0x27: {  	[spmem:s3] =	stream.indirect.scatter.add.f32 [tilespmem:s18], [sflag:$0x2], $0x40, s16, s17, $0xb8;
	[tilespmem:$0x1BE00] =	vst v63  }
0x28: {  	_ =	swait.ge [sflag:s13], $0x4000  }
0x29: {  	s22 =	simm.s32 $0x40;
	s21 =	simm.s32 $0x20;
	[sflag:s13] =	ssyncset.done $0x0  }
.LBB2_2:
0x2a: {  	s23 =	sadd.s32 s21, s11  }
0x2b: {  	[sflag:s13] =	ssyncadd.s32 $0xFFFFC000;
	s24 =	smov.u32 s22;
	s25 =	sadd.s32 $0x20, s22  }
0x2c: {  	[tilespmem:s15], [sflag:$0x2] =	stream.linear.gather [hbm4b:s23+s4], $0x100, $0x38;
	[tilespmem:$0x1BE00] =	vst v63  }
0x2d: {  	p0 =	sne.s32 s22, $0x9C0;
	_ =	swait.ge [sflag:s13], $0x100  }
0x2e: {  	[sflag:s13] =	ssyncset.done $0x0  }
0x2f: {  	s22 =	sadd.s32 s21, s10;
	s21 =	smov.u32 s24;
	[sflag:s13] =	ssyncadd.s32 $0xFFFFFF00  }
0x30: {  	[tilespmem:s16], [sflag:$0x2] =	stream.linear.gather [hbm4b:s22+s4], $0x100, $0x38;
	[tilespmem:$0x1BE00] =	vst v63  }
0x31: {  	_ =	swait.ge [sflag:s13], $0x100  }
0x32: {  	[sflag:s13] =	ssyncset.done $0x0  }
0x33: {  	[sflag:s13] =	ssyncadd.s32 $0xFFFFFF00  }
0x34: {  	[tilespmem:s18], [sflag:$0x1] =	stream.indirect.gather [spmem:s2], $0x40, s15, s17, $0xb8;
	[tilespmem:$0x1BE00] =	vst v63  }
0x35: {  	_ =	swait.ge [sflag:s19], $0x4000  }
.Ltmp0:
0x36: {  	[sflag:s19] =	ssyncset.done $0x0;
	(pc) =	sbr.rel @p0 .LBB2_2-.Ltmp0, $4  }
0x37: {  	[sflag:s19] =	ssyncadd.s32 $0xFFFFC000  }
0x38: {  	[spmem:s3] =	stream.indirect.scatter.add.f32 [tilespmem:s18], [sflag:$0x2], $0x40, s16, s17, $0xb8;
	[tilespmem:$0x1BE00] =	vst v63  }
0x39: {  	_ =	swait.ge [sflag:s13], $0x4000  }
0x3a: {  	s22 =	smov.u32 s25;
	[sflag:s13] =	ssyncset.done $0x0  }
0x3b: {  	s22 =	sadd.s32 s21, s11;
	[sflag:s13] =	ssyncadd.s32 $0xFFFFC000  }
0x3c: {  	[tilespmem:s15], [sflag:$0x2] =	stream.linear.gather [hbm4b:s22+s4], $0x100, $0x38;
	[tilespmem:$0x1BE00] =	vst v63  }
0x3d: {  	_ =	swait.ge [sflag:s13], $0x100  }
0x3e: {  	[sflag:s13] =	ssyncset.done $0x0  }
0x3f: {  	s31 =	sadd.s32 s21, s10;
	[sflag:s13] =	ssyncadd.s32 $0xFFFFFF00  }
0x40: {  	[tilespmem:s16], [sflag:$0x2] =	stream.linear.gather [hbm4b:s31+s4], $0x100, $0x38;
	[tilespmem:$0x1BE00] =	vst v63  }
0x41: {  	_ =	swait.ge [sflag:s13], $0x100  }
0x42: {  	[sflag:s13] =	ssyncset.done $0x0  }
0x43: {  	[sflag:s13] =	ssyncadd.s32 $0xFFFFFF00  }
0x44: {  	[tilespmem:s18], [sflag:$0x1] =	stream.indirect.gather [spmem:s2], $0x40, s15, s17, $0xb8;
	[tilespmem:$0x1BE00] =	vst v63  }
0x45: {  	_ =	swait.ge [sflag:s19], $0x4000  }
0x46: {  	[sflag:s19] =	ssyncset.done $0x0  }
0x47: {  	[sflag:s19] =	ssyncadd.s32 $0xFFFFC000  }
0x48: {  	[spmem:s3] =	stream.indirect.scatter.add.f32 [tilespmem:s18], [sflag:$0x2], $0x40, s16, s17, $0xb8;
	[tilespmem:$0x1BE00] =	vst v63  }
0x49: {  	_ =	swait.ge [sflag:s13], $0x4000  }
0x4a: {  	s20 =	sadd.s32 $0x1, s20;
	[sflag:s13] =	ssyncset.done $0x0  }
0x4b: {  	p0 =	sne.s32 s20, s9;
	[sflag:s13] =	ssyncadd.s32 $0xFFFFC000  }
.Ltmp1:
0x4c: {  	[bflag:$0x0] =	sbarrier.arrive $0xFFFF;
	(pc) =	sbr.rel @p0 .LBB2_1-.Ltmp1, $4  }
0x4d: {  	[hbm:s8], [sflag:s6] =	dma.local [spmem:s14], $0x2780  }
0x4e: {  	_ =	swait.ge [sflag:s13], $0x2780  }
0x4f: {  	[sflag:s13] =	ssyncset.done $0x0  }
0x50: {  	[sflag:s13] =	ssyncadd.s32 $0xFFFFD880  }
0x51: {  	_ =	sfence.sel $0x180000  }
0x52: {  	[bflag:$0x0] =	sbarrier.arrive $0xFFFF  }
0x53: {  	p0 =	sne.s32 s1, $0x0;
	_ =	strace $0x90000047  }
0x54: {  	s0 =	sadd.s32 @!p0 $0x100000, s0;
	[bflag:$0x2] =	sbarrier.arrive $0xFFFF  }
0x55: {  	[sflag:s0] =	ssyncadd.tile.s32 @!p0 $0x1;
	_ =	shalt  }
.Lfunc_end2:
_tile_overlayer_lowered:
.L_overlay_start_2:
0x56: {  	(tag) =	ssettag $0x2  }
0x57: {  	s0 =	rddreg [dreg:$0x0];
	s2 =	stileid.u32  }
0x58: {  	s1 =	rddreg [dreg:$0x1];
	p0 =	sne.s32 s2, $0x0  }
0x59: {  	s3 =	rddreg [dreg:$0x2];
	[bflag:$0x3] =	sbarrier.arrive $0xFFFF;
	s2 =	simm.s32 @!p0 $0x1C02  }
0x5a: {  	[timem:s3], [sflag:s2] =	dma.local @!p0 [hbm:s0], s1  }
0x5b: {  	s0 =	simm.s32 @!p0 $0x2  }
0x5c: {  	_ =	swait.ge @!p0 [sflag:s0], s1  }
0x5d: {  	s1 =	ssub.s32 @!p0 $0x0, s1;
	[sflag:s0] =	ssyncset.done @!p0 $0x0  }
0x5e: {  	[sflag:s0] =	ssyncadd.s32 @!p0 s1  }
0x5f: {  	[bflag:$0x3] =	sbarrier.arrive $0xFFFF  }
0x60: {  	_ =	shalt  }

</sc_bundles>
